<compile_context>
chip_gen: v7x
topology: tpu7x:2x2x1
jax: 0.10.2.dev20260603
libtpu: 0.0.44.dev20260713+nightly
codegen_flags: <defaults>
</compile_context>

<pallas_src>
import functools

import jax
import jax.numpy as jnp
from jax import lax
from jax.experimental import pallas as pl
from jax.experimental.pallas import tpu as pltpu
from jax.experimental.pallas import tpu_sc as plsc

NUM_TRIPS = 4096
NUM_ITEMS = 100
P_IS = 16
P_U = 32

_LT = 512


def _sc_gather_t(user_index, coef_user_t):
    mesh = plsc.VectorSubcoreMesh(core_axis_name="c", subcore_axis_name="s", num_cores=1)

    @functools.partial(
        pl.kernel,
        mesh=mesh,
        compiler_params=pltpu.CompilerParams(use_tc_tiling_on_sc=False),
        out_type=jax.ShapeDtypeStruct((P_U, NUM_TRIPS), jnp.float32),
        scratch_types=[
            pltpu.VMEM((NUM_TRIPS,), jnp.int32),
            pltpu.VMEM((NUM_TRIPS,), jnp.float32),
            pltpu.VMEM((NUM_TRIPS,), jnp.float32),
            pltpu.SemaphoreType.DMA,
        ],
    )
    def gather_kernel(idx_hbm, table_hbm, out_hbm, idx_v, vals0, vals1, sem):
        sid = lax.axis_index("s")
        pltpu.sync_copy(idx_hbm, idx_v)
        c0 = pltpu.async_copy(table_hbm.at[sid * 2].at[idx_v], vals0, sem)
        c1 = pltpu.async_copy(table_hbm.at[sid * 2 + 1].at[idx_v], vals1, sem)
        c0.wait()
        c1.wait()
        pltpu.sync_copy(vals0, out_hbm.at[sid * 2])
        pltpu.sync_copy(vals1, out_hbm.at[sid * 2 + 1])

    return gather_kernel(user_index, coef_user_t)


def _k1_body(wis_ref, ci_ref, xis_ref, out_ref):
    x = xis_ref[...]
    w = wis_ref[...]
    out_ref[...] = jnp.sum(x * w[None, :, :], axis=1) + ci_ref[...]


def _k2_body(cu_ref, util1_ref, xu_ref, out_ref):
    x = xu_ref[...]
    c = cu_ref[...]
    out_ref[...] = util1_ref[...] + jnp.sum(x * c[None, :, :], axis=1)


def kernel(x_itemsession, x_user, coef_intercept, coef_itemsession, coef_user,
           user_index, session_index, item_availability):
    T, I = NUM_TRIPS, NUM_ITEMS
    cu_t = _sc_gather_t(user_index.astype(jnp.int32), coef_user.T)

    xis_t = jnp.transpose(x_itemsession, (1, 2, 0))
    xu_t = jnp.transpose(x_user, (1, 2, 0))

    wis_col = coef_itemsession.reshape(P_IS, 1)
    ci_col = jnp.concatenate(
        [jnp.zeros((1, 1), jnp.float32), coef_intercept], axis=0)

    util1 = pl.pallas_call(
        _k1_body,
        grid=(T // _LT,),
        in_specs=[
            pl.BlockSpec((P_IS, 1), lambda i: (0, 0)),
            pl.BlockSpec((I, 1), lambda i: (0, 0)),
            pl.BlockSpec((I, P_IS, _LT), lambda i: (0, 0, i)),
        ],
        out_specs=pl.BlockSpec((I, _LT), lambda i: (0, i)),
        out_shape=jax.ShapeDtypeStruct((I, T), jnp.float32),
    )(wis_col, ci_col, xis_t)

    util_t = pl.pallas_call(
        _k2_body,
        grid=(T // _LT,),
        in_specs=[
            pl.BlockSpec((P_U, _LT), lambda i: (0, i)),
            pl.BlockSpec((I, _LT), lambda i: (0, i)),
            pl.BlockSpec((I, P_U, _LT), lambda i: (0, 0, i)),
        ],
        out_specs=pl.BlockSpec((I, _LT), lambda i: (0, i)),
        out_shape=jax.ShapeDtypeStruct((I, T), jnp.float32),
    )(cu_t, util1, xu_t)

    return util_t.T

# --- scband reference (transcript-rebuilt; emitter-appended) ---
"""Pipeline reference for scband-conditional-logit-model-46145128628939 (READ-ONLY COPY).

The authoritative reference and input builder live on the scoring server;
editing this copy changes nothing except your own understanding.
"""

import jax, jax.numpy as jnp
import numpy as np

NUM_TRIPS = 4096
NUM_ITEMS = 100
NUM_USERS = 100000
NUM_SESSIONS = 500
P_INTERCEPT = 1
P_ITEMSESSION = 16
P_USER = 32


def setup_inputs(seed: int = 0) -> dict:
    key = jax.random.key(seed)
    k1, k2, k3, k4, k5, k6, k7 = jax.random.split(key, 7)
    x_itemsession = jax.random.normal(k1, (NUM_TRIPS, NUM_ITEMS, P_ITEMSESSION), dtype=jnp.float32)
    x_user = jax.random.normal(k2, (NUM_TRIPS, NUM_ITEMS, P_USER), dtype=jnp.float32)
    user_index = jax.random.randint(k3, (NUM_TRIPS,), 0, NUM_USERS, dtype=jnp.int64 if jax.config.jax_enable_x64 else jnp.int32)
    session_index = jax.random.randint(k4, (NUM_TRIPS,), 0, NUM_SESSIONS, dtype=jnp.int64 if jax.config.jax_enable_x64 else jnp.int32)
    item_availability = jnp.ones((NUM_SESSIONS, NUM_ITEMS), dtype=bool)
    # learned coefficients (parameters of the ConditionalLogitModel)
    # 'intercept' has 'item' variation: first item forced to zero -> (num_items-1, 1)
    coef_intercept = jax.random.normal(k5, (NUM_ITEMS - 1, P_INTERCEPT), dtype=jnp.float32) * 0.1
    # 'itemsession_obs' has 'constant' variation: (num_params,)
    coef_itemsession = jax.random.normal(k6, (P_ITEMSESSION,), dtype=jnp.float32) * 0.1
    # 'user_obs' has 'user' variation: (num_users, num_params) -- large embedding-like table
    coef_user = jax.random.normal(k7, (NUM_USERS, P_USER), dtype=jnp.float32) * 0.1
    return {
        'x_itemsession': x_itemsession,
        'x_user': x_user,
        'coef_intercept': coef_intercept,
        'coef_itemsession': coef_itemsession,
        'coef_user': coef_user,
        'user_index': user_index,
        'session_index': session_index,
        'item_availability': item_availability,
    }


def reference(x_itemsession, x_user, coef_intercept, coef_itemsession, coef_user,
              user_index, session_index, item_availability):
    T = x_itemsession.shape[0]
    I = x_itemsession.shape[1]
    # intercept term: x is implicitly ones((T, I, 1)); coefficient is item-varying with
    # the first item's coefficient forced to zero (standard econometric normalization).
    ci_full = jnp.concatenate([jnp.zeros((1, P_INTERCEPT), dtype=coef_intercept.dtype), coef_intercept], axis=0)  # (I, P)
    x_intercept = jnp.ones((T, I, P_INTERCEPT), dtype=jnp.float32)
    util_intercept = jnp.sum(x_intercept * ci_full[None, :, :], axis=-1)  # (T, I)
    # constant-variation coefficient: same coef for all trips and items.
    util_itemsession = jnp.sum(x_itemsession * coef_itemsession[None, None, :], axis=-1)  # (T, I)
    # user-variation coefficient: gather the per-user coefficient row (embedding lookup).
    cu = jnp.take(coef_user, user_index, axis=0)  # (T, P_USER)
    util_user = jnp.sum(x_user * cu[:, None, :], axis=-1)  # (T, I)
    total_utility = util_intercept + util_itemsession + util_user  # (T, I)
    # mask unavailable items with a large negative utility
    avail = jnp.take(item_availability, session_index, axis=0)  # (T, I) bool
    total_utility = jnp.where(avail, total_utility, jnp.float32(-1e20))
    return total_utility

if __name__ == "__main__":
    import jax
    _d = setup_inputs()
    print(jax.jit(kernel)(*tuple(_d.values())))

</pallas_src>

<mosaic_0001>
#map = affine_map<(d0, d1) -> (0)>
#map1 = affine_map<(d0, d1) -> (0, 0)>
module attributes {stable_mosaic.version = 14 : i64} {
  func.func @gather_kernel(%arg0: i32, %arg1: i32, %arg2: memref<4096xi32, #tpu.memory_space<hbm>>, %arg3: memref<32x100000xf32, #tpu.memory_space<hbm>>, %arg4: memref<32x4096xf32, #tpu.memory_space<hbm>>, %arg5: memref<4096xi32, #tpu.memory_space<vmem>>, %arg6: memref<4096xf32, #tpu.memory_space<vmem>>, %arg7: memref<4096xf32, #tpu.memory_space<vmem>>, %arg8: memref<!tpu.dma_semaphore, #tpu.memory_space<semaphore_mem>>) attributes {dimension_semantics = [#tpu.dimension_semantics<core_parallel>, #tpu.dimension_semantics<subcore_parallel>], iteration_bounds = array<i64: 1, 16>, scalar_prefetch = 0 : i64, scratch_operands = 4 : i64, tpu.core_type = #tpu.core_type<sc_vector_subcore>, window_params = [{transform_indices = #map}, {transform_indices = #map1}, {transform_indices = #map1}]} {
    "tpu.region"() ({
      %run_scoped3A = tpu.sem_alloc : memref<!tpu.dma_semaphore, #tpu.memory_space<semaphore_mem>>
      tpu.enqueue_dma source(%arg2 : memref<4096xi32, #tpu.memory_space<hbm>>) target(%arg5 : memref<4096xi32, #tpu.memory_space<vmem>>) target_semaphore(%run_scoped3A : memref<!tpu.dma_semaphore, #tpu.memory_space<semaphore_mem>>)
      tpu.wait_dma2 semaphore(%run_scoped3A : memref<!tpu.dma_semaphore, #tpu.memory_space<semaphore_mem>>) src(%arg2 : memref<4096xi32, #tpu.memory_space<hbm>>) dst(%arg5 : memref<4096xi32, #tpu.memory_space<vmem>>)
      tpu.yield
    }) : () -> ()
    %mul3A = arith.constant 2 : i32
    %mul3A_0 = arith.muli %arg1, %mul3A : i32
    %dma_start3A = arith.constant 0 : i32
    %dma_start3A_1 = tpu.memref_slice %arg3[%mul3A_0, %dma_start3A] : memref<32x100000xf32, #tpu.memory_space<hbm>> -> memref<1x100000xf32, #tpu.memory_space<hbm>>
    %dma_start3A_2 = tpu.memref_squeeze %dma_start3A_1 : memref<1x100000xf32, #tpu.memory_space<hbm>> -> memref<100000xf32, #tpu.memory_space<hbm>>
    %dma_start3A_3 = arith.constant 0 : i32
    %dma_start3A_4 = tpu.memref_slice %dma_start3A_2[%dma_start3A_3] : memref<100000xf32, #tpu.memory_space<hbm>> -> memref<100000xf32, #tpu.memory_space<hbm>>
    tpu.enqueue_indirect_dma source(%dma_start3A_4 : memref<100000xf32, #tpu.memory_space<hbm>>) target(%arg6 : memref<4096xf32, #tpu.memory_space<vmem>>) offsets(%arg5 : memref<4096xi32, #tpu.memory_space<vmem>>) semaphore(%arg8 : memref<!tpu.dma_semaphore, #tpu.memory_space<semaphore_mem>>)
    %mul3A_5 = arith.constant 2 : i32
    %mul3A_6 = arith.muli %arg1, %mul3A_5 : i32
    %add3A = arith.constant 1 : i32
    %add3A_7 = arith.addi %mul3A_6, %add3A : i32
    %dma_start3A_8 = arith.constant 0 : i32
    %dma_start3A_9 = tpu.memref_slice %arg3[%add3A_7, %dma_start3A_8] : memref<32x100000xf32, #tpu.memory_space<hbm>> -> memref<1x100000xf32, #tpu.memory_space<hbm>>
    %dma_start3A_10 = tpu.memref_squeeze %dma_start3A_9 : memref<1x100000xf32, #tpu.memory_space<hbm>> -> memref<100000xf32, #tpu.memory_space<hbm>>
    %dma_start3A_11 = arith.constant 0 : i32
    %dma_start3A_12 = tpu.memref_slice %dma_start3A_10[%dma_start3A_11] : memref<100000xf32, #tpu.memory_space<hbm>> -> memref<100000xf32, #tpu.memory_space<hbm>>
    tpu.enqueue_indirect_dma source(%dma_start3A_12 : memref<100000xf32, #tpu.memory_space<hbm>>) target(%arg7 : memref<4096xf32, #tpu.memory_space<vmem>>) offsets(%arg5 : memref<4096xi32, #tpu.memory_space<vmem>>) semaphore(%arg8 : memref<!tpu.dma_semaphore, #tpu.memory_space<semaphore_mem>>)
    %dma_wait3A = arith.constant 0 : i32
    %dma_wait3A_13 = tpu.memref_slice %arg3[%mul3A_0, %dma_wait3A] : memref<32x100000xf32, #tpu.memory_space<hbm>> -> memref<1x100000xf32, #tpu.memory_space<hbm>>
    %dma_wait3A_14 = tpu.memref_squeeze %dma_wait3A_13 : memref<1x100000xf32, #tpu.memory_space<hbm>> -> memref<100000xf32, #tpu.memory_space<hbm>>
    %dma_wait3A_15 = arith.constant 0 : i32
    %dma_wait3A_16 = tpu.memref_slice %dma_wait3A_14[%dma_wait3A_15] : memref<100000xf32, #tpu.memory_space<hbm>> -> memref<100000xf32, #tpu.memory_space<hbm>>
    tpu.wait_indirect_dma semaphore(%arg8 : memref<!tpu.dma_semaphore, #tpu.memory_space<semaphore_mem>>) src(%dma_wait3A_16 : memref<100000xf32, #tpu.memory_space<hbm>>) dst(%arg6 : memref<4096xf32, #tpu.memory_space<vmem>>)
    %dma_wait3A_17 = arith.constant 0 : i32
    %dma_wait3A_18 = tpu.memref_slice %arg3[%add3A_7, %dma_wait3A_17] : memref<32x100000xf32, #tpu.memory_space<hbm>> -> memref<1x100000xf32, #tpu.memory_space<hbm>>
    %dma_wait3A_19 = tpu.memref_squeeze %dma_wait3A_18 : memref<1x100000xf32, #tpu.memory_space<hbm>> -> memref<100000xf32, #tpu.memory_space<hbm>>
    %dma_wait3A_20 = arith.constant 0 : i32
    %dma_wait3A_21 = tpu.memref_slice %dma_wait3A_19[%dma_wait3A_20] : memref<100000xf32, #tpu.memory_space<hbm>> -> memref<100000xf32, #tpu.memory_space<hbm>>
    tpu.wait_indirect_dma semaphore(%arg8 : memref<!tpu.dma_semaphore, #tpu.memory_space<semaphore_mem>>) src(%dma_wait3A_21 : memref<100000xf32, #tpu.memory_space<hbm>>) dst(%arg7 : memref<4096xf32, #tpu.memory_space<vmem>>)
    %mul3A_22 = arith.constant 2 : i32
    %mul3A_23 = arith.muli %arg1, %mul3A_22 : i32
    "tpu.region"() ({
      %run_scoped3A = tpu.sem_alloc : memref<!tpu.dma_semaphore, #tpu.memory_space<semaphore_mem>>
      %dma_start3A_28 = arith.constant 0 : i32
      %dma_start3A_29 = tpu.memref_slice %arg4[%mul3A_23, %dma_start3A_28] : memref<32x4096xf32, #tpu.memory_space<hbm>> -> memref<1x4096xf32, #tpu.memory_space<hbm>>
      %dma_start3A_30 = tpu.memref_squeeze %dma_start3A_29 : memref<1x4096xf32, #tpu.memory_space<hbm>> -> memref<4096xf32, #tpu.memory_space<hbm>>
      %dma_start3A_31 = arith.constant 0 : i32
      %dma_start3A_32 = tpu.memref_slice %arg4[%mul3A_23, %dma_start3A_31] : memref<32x4096xf32, #tpu.memory_space<hbm>> -> memref<1x4096xf32, #tpu.memory_space<hbm>>
      %dma_start3A_33 = tpu.memref_squeeze %dma_start3A_32 : memref<1x4096xf32, #tpu.memory_space<hbm>> -> memref<4096xf32, #tpu.memory_space<hbm>>
      tpu.enqueue_dma source(%arg6 : memref<4096xf32, #tpu.memory_space<vmem>>) target(%dma_start3A_33 : memref<4096xf32, #tpu.memory_space<hbm>>) target_semaphore(%run_scoped3A : memref<!tpu.dma_semaphore, #tpu.memory_space<semaphore_mem>>)
      %dma_wait3A_34 = arith.constant 0 : i32
      %dma_wait3A_35 = tpu.memref_slice %arg4[%mul3A_23, %dma_wait3A_34] : memref<32x4096xf32, #tpu.memory_space<hbm>> -> memref<1x4096xf32, #tpu.memory_space<hbm>>
      %dma_wait3A_36 = tpu.memref_squeeze %dma_wait3A_35 : memref<1x4096xf32, #tpu.memory_space<hbm>> -> memref<4096xf32, #tpu.memory_space<hbm>>
      %dma_wait3A_37 = arith.constant 0 : i32
      %dma_wait3A_38 = tpu.memref_slice %arg4[%mul3A_23, %dma_wait3A_37] : memref<32x4096xf32, #tpu.memory_space<hbm>> -> memref<1x4096xf32, #tpu.memory_space<hbm>>
      %dma_wait3A_39 = tpu.memref_squeeze %dma_wait3A_38 : memref<1x4096xf32, #tpu.memory_space<hbm>> -> memref<4096xf32, #tpu.memory_space<hbm>>
      tpu.wait_dma2 semaphore(%run_scoped3A : memref<!tpu.dma_semaphore, #tpu.memory_space<semaphore_mem>>) src(%arg6 : memref<4096xf32, #tpu.memory_space<vmem>>) dst(%dma_wait3A_39 : memref<4096xf32, #tpu.memory_space<hbm>>)
      tpu.yield
    }) : () -> ()
    %mul3A_24 = arith.constant 2 : i32
    %mul3A_25 = arith.muli %arg1, %mul3A_24 : i32
    %add3A_26 = arith.constant 1 : i32
    %add3A_27 = arith.addi %mul3A_25, %add3A_26 : i32
    "tpu.region"() ({
      %run_scoped3A = tpu.sem_alloc : memref<!tpu.dma_semaphore, #tpu.memory_space<semaphore_mem>>
      %dma_start3A_28 = arith.constant 0 : i32
      %dma_start3A_29 = tpu.memref_slice %arg4[%add3A_27, %dma_start3A_28] : memref<32x4096xf32, #tpu.memory_space<hbm>> -> memref<1x4096xf32, #tpu.memory_space<hbm>>
      %dma_start3A_30 = tpu.memref_squeeze %dma_start3A_29 : memref<1x4096xf32, #tpu.memory_space<hbm>> -> memref<4096xf32, #tpu.memory_space<hbm>>
      %dma_start3A_31 = arith.constant 0 : i32
      %dma_start3A_32 = tpu.memref_slice %arg4[%add3A_27, %dma_start3A_31] : memref<32x4096xf32, #tpu.memory_space<hbm>> -> memref<1x4096xf32, #tpu.memory_space<hbm>>
      %dma_start3A_33 = tpu.memref_squeeze %dma_start3A_32 : memref<1x4096xf32, #tpu.memory_space<hbm>> -> memref<4096xf32, #tpu.memory_space<hbm>>
      tpu.enqueue_dma source(%arg7 : memref<4096xf32, #tpu.memory_space<vmem>>) target(%dma_start3A_33 : memref<4096xf32, #tpu.memory_space<hbm>>) target_semaphore(%run_scoped3A : memref<!tpu.dma_semaphore, #tpu.memory_space<semaphore_mem>>)
      %dma_wait3A_34 = arith.constant 0 : i32
      %dma_wait3A_35 = tpu.memref_slice %arg4[%add3A_27, %dma_wait3A_34] : memref<32x4096xf32, #tpu.memory_space<hbm>> -> memref<1x4096xf32, #tpu.memory_space<hbm>>
      %dma_wait3A_36 = tpu.memref_squeeze %dma_wait3A_35 : memref<1x4096xf32, #tpu.memory_space<hbm>> -> memref<4096xf32, #tpu.memory_space<hbm>>
      %dma_wait3A_37 = arith.constant 0 : i32
      %dma_wait3A_38 = tpu.memref_slice %arg4[%add3A_27, %dma_wait3A_37] : memref<32x4096xf32, #tpu.memory_space<hbm>> -> memref<1x4096xf32, #tpu.memory_space<hbm>>
      %dma_wait3A_39 = tpu.memref_squeeze %dma_wait3A_38 : memref<1x4096xf32, #tpu.memory_space<hbm>> -> memref<4096xf32, #tpu.memory_space<hbm>>
      tpu.wait_dma2 semaphore(%run_scoped3A : memref<!tpu.dma_semaphore, #tpu.memory_space<semaphore_mem>>) src(%arg7 : memref<4096xf32, #tpu.memory_space<vmem>>) dst(%dma_wait3A_39 : memref<4096xf32, #tpu.memory_space<hbm>>)
      tpu.yield
    }) : () -> ()
    return
  }
}

module attributes {stable_mosaic.version = 14 : i64} {
  func.func @_k2_body(%arg0: i32, %arg1: memref<32x512xf32, #tpu.memory_space<vmem>>, %arg2: memref<100x512xf32, #tpu.memory_space<vmem>>, %arg3: memref<100x32x512xf32, #tpu.memory_space<vmem>>, %arg4: memref<100x512xf32, #tpu.memory_space<vmem>>) attributes {dimension_semantics = [#tpu.dimension_semantics<arbitrary>], iteration_bounds = array<i64: 8>, scalar_prefetch = 0 : i64, scratch_operands = 0 : i64, tpu.core_type = #tpu.core_type<tc>, window_params = [{transform_indices = @transform_0, window_bounds = array<i64: 32, 512>}, {transform_indices = @transform_1, window_bounds = array<i64: 100, 512>}, {transform_indices = @transform_2, window_bounds = array<i64: 100, 32, 512>}, {transform_indices = @transform_3, window_bounds = array<i64: 100, 512>}]} {
    %get3A = arith.constant 0 : index
    %get3A_0 = arith.constant 0 : index
    %get3A_1 = arith.constant 0 : index
    %get3A_2 = vector.load %arg3[%get3A, %get3A_0, %get3A_1] : memref<100x32x512xf32, #tpu.memory_space<vmem>>, vector<100x32x512xf32>
    %get3A_3 = arith.constant 0 : index
    %get3A_4 = arith.constant 0 : index
    %get3A_5 = vector.load %arg1[%get3A_3, %get3A_4] : memref<32x512xf32, #tpu.memory_space<vmem>>, vector<32x512xf32>
    %get3A_6 = arith.constant 0 : index
    %get3A_7 = arith.constant 0 : index
    %get3A_8 = vector.load %arg2[%get3A_6, %get3A_7] : memref<100x512xf32, #tpu.memory_space<vmem>>, vector<100x512xf32>
    %broadcast_in_dim3A = vector.shape_cast %get3A_5 : vector<32x512xf32> to vector<1x32x512xf32>
    %mul3A = vector.broadcast %broadcast_in_dim3A : vector<1x32x512xf32> to vector<100x32x512xf32>
    %mul3A_9 = arith.mulf %get3A_2, %mul3A : vector<100x32x512xf32>
    %reduce_sum3A = arith.constant dense<0.000000e+00> : vector<100x512xf32>
    %reduce_sum3A_10 = vector.multi_reduction <add>, %mul3A_9, %reduce_sum3A [1] : vector<100x32x512xf32> to vector<100x512xf32>
    %add3A = arith.addf %get3A_8, %reduce_sum3A_10 : vector<100x512xf32>
    %swap3A = arith.constant 0 : index
    %swap3A_11 = arith.constant 0 : index
    %swap3A_12 = vector.load %arg4[%swap3A, %swap3A_11] : memref<100x512xf32, #tpu.memory_space<vmem>>, vector<100x512xf32>
    tpu.vector_store %arg4[%swap3A, %swap3A_11], %add3A {strides = array<i32>} : memref<100x512xf32, #tpu.memory_space<vmem>>, vector<100x512xf32>,
    return
  }
  func.func @transform_0(%arg0: i32) -> (i32, i32) {
    %c0_i32 = arith.constant 0 : i32
    %c0_i32_0 = arith.constant 0 : i32
    return %c0_i32, %arg0 : i32, i32
  }
  func.func @transform_1(%arg0: i32) -> (i32, i32) {
    %c0_i32 = arith.constant 0 : i32
    %c0_i32_0 = arith.constant 0 : i32
    return %c0_i32, %arg0 : i32, i32
  }
  func.func @transform_2(%arg0: i32) -> (i32, i32, i32) {
    %c0_i32 = arith.constant 0 : i32
    %c0_i32_0 = arith.constant 0 : i32
    %c0_i32_1 = arith.constant 0 : i32
    return %c0_i32, %c0_i32_0, %arg0 : i32, i32, i32
  }
  func.func @transform_3(%arg0: i32) -> (i32, i32) {
    %c0_i32 = arith.constant 0 : i32
    %c0_i32_0 = arith.constant 0 : i32
    return %c0_i32, %arg0 : i32, i32
  }
}

module attributes {stable_mosaic.version = 14 : i64} {
  func.func @_k1_body(%arg0: i32, %arg1: memref<16x1xf32, #tpu.memory_space<vmem>>, %arg2: memref<100x1xf32, #tpu.memory_space<vmem>>, %arg3: memref<100x16x512xf32, #tpu.memory_space<vmem>>, %arg4: memref<100x512xf32, #tpu.memory_space<vmem>>) attributes {dimension_semantics = [#tpu.dimension_semantics<arbitrary>], iteration_bounds = array<i64: 8>, scalar_prefetch = 0 : i64, scratch_operands = 0 : i64, tpu.core_type = #tpu.core_type<tc>, window_params = [{pipeline_mode = #tpu.pipeline_mode<synchronous>, transform_indices = @transform_0, window_bounds = array<i64: 16, 1>}, {pipeline_mode = #tpu.pipeline_mode<synchronous>, transform_indices = @transform_1, window_bounds = array<i64: 100, 1>}, {transform_indices = @transform_2, window_bounds = array<i64: 100, 16, 512>}, {transform_indices = @transform_3, window_bounds = array<i64: 100, 512>}]} {
    %get3A = arith.constant 0 : index
    %get3A_0 = arith.constant 0 : index
    %get3A_1 = arith.constant 0 : index
    %get3A_2 = vector.load %arg3[%get3A, %get3A_0, %get3A_1] : memref<100x16x512xf32, #tpu.memory_space<vmem>>, vector<100x16x512xf32>
    %get3A_3 = arith.constant 0 : index
    %get3A_4 = arith.constant 0 : index
    %get3A_5 = vector.load %arg1[%get3A_3, %get3A_4] : memref<16x1xf32, #tpu.memory_space<vmem>>, vector<16x1xf32>
    %broadcast_in_dim3A = vector.shape_cast %get3A_5 : vector<16x1xf32> to vector<1x16x1xf32>
    %mul3A = vector.broadcast %broadcast_in_dim3A : vector<1x16x1xf32> to vector<100x16x512xf32>
    %mul3A_6 = arith.mulf %get3A_2, %mul3A : vector<100x16x512xf32>
    %reduce_sum3A = arith.constant dense<0.000000e+00> : vector<100x512xf32>
    %reduce_sum3A_7 = vector.multi_reduction <add>, %mul3A_6, %reduce_sum3A [1] : vector<100x16x512xf32> to vector<100x512xf32>
    %get3A_8 = arith.constant 0 : index
    %get3A_9 = arith.constant 0 : index
    %get3A_10 = vector.load %arg2[%get3A_8, %get3A_9] : memref<100x1xf32, #tpu.memory_space<vmem>>, vector<100x1xf32>
    %add3A = vector.broadcast %get3A_10 : vector<100x1xf32> to vector<100x512xf32>
    %add3A_11 = arith.addf %reduce_sum3A_7, %add3A : vector<100x512xf32>
    %swap3A = arith.constant 0 : index
    %swap3A_12 = arith.constant 0 : index
    %swap3A_13 = vector.load %arg4[%swap3A, %swap3A_12] : memref<100x512xf32, #tpu.memory_space<vmem>>, vector<100x512xf32>
    tpu.vector_store %arg4[%swap3A, %swap3A_12], %add3A_11 {strides = array<i32>} : memref<100x512xf32, #tpu.memory_space<vmem>>, vector<100x512xf32>,
    return
  }
  func.func @transform_0(%arg0: i32) -> (i32, i32) {
    %c0_i32 = arith.constant 0 : i32
    %c0_i32_0 = arith.constant 0 : i32
    %c0_i32_1 = arith.constant 0 : i32
    return %c0_i32, %c0_i32_0 : i32, i32
  }
  func.func @transform_1(%arg0: i32) -> (i32, i32) {
    %c0_i32 = arith.constant 0 : i32
    %c0_i32_0 = arith.constant 0 : i32
    %c0_i32_1 = arith.constant 0 : i32
    return %c0_i32, %c0_i32_0 : i32, i32
  }
  func.func @transform_2(%arg0: i32) -> (i32, i32, i32) {
    %c0_i32 = arith.constant 0 : i32
    %c0_i32_0 = arith.constant 0 : i32
    %c0_i32_1 = arith.constant 0 : i32
    return %c0_i32, %c0_i32_0, %arg0 : i32, i32, i32
  }
  func.func @transform_3(%arg0: i32) -> (i32, i32) {
    %c0_i32 = arith.constant 0 : i32
    %c0_i32_0 = arith.constant 0 : i32
    return %c0_i32, %arg0 : i32, i32
  }
}

</mosaic_0001>

<sc_bundles>
// kernel: kernel.5.cloned.1.call-start
scs
__scs_entry_jumppad:
0x0: {  	(pc) =	sbr.rel $0x88, $3  }
0x1: {  	(tag) =	ssettag $0x0;
	lr =	simm.s32 $0x1  }
0x2: {  	[smem:$0x3F9B] =	sst lr;
	_ =	strace $0xD0000000  }
0x3: {  	_ = 	snop  }
0x4: {  	_ = 	snop  }
0x5: {  	_ = 	snop  }
0x6: {  	_ = 	snop  }
0x7: {  	_ = 	snop  }
__scs_overlays_trampoline_lowered:
0x8: {  	[smem:$0x3FAA] =	sst s0  }
0x9: {  	[smem:$0x3FAB] =	sst s1  }
0xa: {  	[smem:$0x3FAC] =	sst s2  }
0xb: {  	[smem:$0x3FAD] =	sst s3  }
0xc: {  	[smem:$0x3FAE] =	sst s4  }
0xd: {  	[smem:$0x3FAF] =	sst s5  }
0xe: {  	[smem:$0x3FB0] =	sst s6  }
0xf: {  	[smem:$0x3FB1] =	sst s7  }
0x10: {  	[smem:$0x3FB2] =	sst s8  }
0x11: {  	[smem:$0x3FB3] =	sst s9;
	s0 =	simm.s32 @!p0 $0x0  }
0x12: {  	s1 =	sld [smem:$0x3F99];
	s0 =	simm.s32 @p0 $0x1  }
0x13: {  	[smem:$0x3FB4] =	sst s0;
	s0 =	simm.s32 @!p1 $0x0  }
0x14: {  	s2 =	sld [smem:$0x3F98];
	s0 =	simm.s32 @p1 $0x1  }
0x15: {  	[smem:$0x3FB5] =	sst s0;
	s0 =	simm.s32 @!p2 $0x0  }
0x16: {  	s3 =	sld [smem:$0x3FDB];
	s0 =	simm.s32 @p2 $0x1  }
0x17: {  	s4 =	simm.s32 $0x1BF5;
	[smem:$0x3FB7] =	sst s0  }
0x18: {  	s0 =	sld [smem:$0x3F9A];
	_ =	swait.ge [sflag:s4], $0x0  }
0x19: {  	s7 =	sld [smem:$0x3F9B]  }
0x1a: {  	s8 =	sadd.s32 $0xFFFFE003, lr  }
0x1b: {  	s9 =	sadd.s32 $0xFFFFFEF7, lr;
	s5 =	simm.s32 $0xFFFFFFFF;
	p2 =	slt.u32 s8, $0xFFFFF086  }
0x1c: {  	p1 =	slt.u32 s9, $0xF7A;
	s5 =	simm.s32 @!p2 $0x0  }
0x1d: {  	s5 =	simm.s32 @p1 $0x1;
	p0 =	seq.s32 s7, s2  }
0x1e: {  	s7 =	smul.u32 @!p0 $0xF7A, s2;
	p2 =	seq.s32 @!p0 s5, $0x0  }
0x1f: {  	s9 =	smul.u32 $0xF7A, s1;
	s8 =	simm.s32 @!p0 $0x1BF5;
	p2 =	por !p2, p0  }
0x20: {  	[sflag:s8] =	ssyncset.s32 @!p0 $0xFFFFF086;
	s6 =	sadd.s32 @!p0 s3, s7;
	s7 =	simm.s32 @!p0 $0x108  }
0x21: {  	s3 =	sadd.s32 s3, s9;
	s6 =	sadd.s32 @!p0 $0x88, s6;
	s7 =	simm.s32 @p2 $0x1082  }
0x22: {  	[simem:s7], [sflag:s8] =	dma.local @!p0 [hbm:s6], $0xF7A  }
0x23: {  	s9 =	sor.u32 $0xD0000000, s2;
	s6 =	simm.s32 $0x108;
	_ =	swait.ge @!p0 [sflag:s8], $0x0  }
0x24: {  	s3 =	sadd.s32 $0x88, s3;
	s6 =	simm.s32 @!p1 $0x1082;
	[sflag:s4] =	ssyncset.s32 $0xFFFFF086  }
0x25: {  	[simem:s6], [sflag:s4] =	dma.local [hbm:s3], $0xF7A  }
0x26: {  	[smem:$0x3F9B] =	sst s1;
	(tag) =	ssettag s2;
	_ =	strace s9  }
0x27: {  	s1 =	sld [smem:$0x3FAB]  }
0x28: {  	s2 =	sld [smem:$0x3FAC]  }
0x29: {  	s4 =	sld [smem:$0x3FAE]  }
0x2a: {  	p0 =	seq.s32 s5, $0x0;
	s5 =	sld [smem:$0x3FAF]  }
0x2b: {  	s6 =	sld [smem:$0x3FB0]  }
0x2c: {  	s7 =	sld [smem:$0x3FB1]  }
0x2d: {  	s3 =	simm.s32 $0x108;
	s8 =	sld [smem:$0x3FB2]  }
0x2e: {  	s3 =	simm.s32 @!p0 $0x1082;
	s9 =	sld [smem:$0x3FB3]  }
0x2f: {  	lr =	sadd.s32 s0, s3;
	s0 =	sld [smem:$0x3FAA]  }
0x30: {  	s3 =	sld [smem:$0x3FAD]  }
0x31: {  	[smem:$0x3FB6] =	sst s10  }
0x32: {  	s10 =	sld [smem:$0x3FB4];
	_ =	sdelay $0x3  }
0x33: {  	p0 =	seq.s32 s10, $0x1;
	s10 =	sld [smem:$0x3FB6];
	_ =	sdelay $0x3  }
0x34: {  	[smem:$0x3FB6] =	sst s10  }
0x35: {  	s10 =	sld [smem:$0x3FB5];
	_ =	sdelay $0x3  }
0x36: {  	p1 =	seq.s32 s10, $0x1;
	s10 =	sld [smem:$0x3FB6];
	_ =	sdelay $0x3  }
0x37: {  	[smem:$0x3FB6] =	sst s10  }
0x38: {  	s10 =	sld [smem:$0x3FB7]  }
0x39: {  	_ = 	snop;
	(pc) =	sbr.ind lr, $3  }
0x3a: {  	_ = 	snop  }
0x3b: {  	_ = 	snop  }
0x3c: {  	p2 =	seq.s32 s10, $0x1;
	s10 =	sld [smem:$0x3FB6]  }
0x3d: {  	_ =	shalt  }
0x3e: {  	_ =	shalt  }
0x3f: {  	_ =	shalt  }
0x40: {  	_ =	shalt  }
0x41: {  	_ =	shalt  }
0x42: {  	_ =	shalt  }
0x43: {  	_ =	shalt  }
0x44: {  	_ =	shalt  }
0x45: {  	_ =	shalt  }
0x46: {  	_ =	shalt  }
0x47: {  	_ =	shalt  }
0x48: {  	_ =	shalt  }
0x49: {  	_ =	shalt  }
0x4a: {  	_ =	shalt  }
0x4b: {  	_ =	shalt  }
0x4c: {  	_ =	shalt  }
0x4d: {  	_ =	shalt  }
0x4e: {  	_ =	shalt  }
0x4f: {  	_ =	shalt  }
0x50: {  	_ =	shalt  }
0x51: {  	_ =	shalt  }
0x52: {  	_ =	shalt  }
0x53: {  	_ =	shalt  }
0x54: {  	_ =	shalt  }
0x55: {  	_ =	shalt  }
0x56: {  	_ =	shalt  }
0x57: {  	_ =	shalt  }
0x58: {  	_ =	shalt  }
0x59: {  	_ =	shalt  }
0x5a: {  	_ =	shalt  }
0x5b: {  	_ =	shalt  }
0x5c: {  	_ =	shalt  }
0x5d: {  	_ =	shalt  }
0x5e: {  	_ =	shalt  }
0x5f: {  	_ =	shalt  }
0x60: {  	_ =	shalt  }
0x61: {  	_ =	shalt  }
0x62: {  	_ =	shalt  }
0x63: {  	_ =	shalt  }
0x64: {  	_ =	shalt  }
0x65: {  	_ =	shalt  }
0x66: {  	_ =	shalt  }
0x67: {  	_ =	shalt  }
0x68: {  	_ =	shalt  }
0x69: {  	_ =	shalt  }
0x6a: {  	_ =	shalt  }
0x6b: {  	_ =	shalt  }
0x6c: {  	_ =	shalt  }
0x6d: {  	_ =	shalt  }
0x6e: {  	_ =	shalt  }
0x6f: {  	_ =	shalt  }
0x70: {  	_ =	shalt  }
0x71: {  	_ =	shalt  }
0x72: {  	_ =	shalt  }
0x73: {  	_ =	shalt  }
0x74: {  	_ =	shalt  }
0x75: {  	_ =	shalt  }
0x76: {  	_ =	shalt  }
0x77: {  	_ =	shalt  }
0x78: {  	_ =	shalt  }
0x79: {  	_ =	shalt  }
0x7a: {  	_ =	shalt  }
0x7b: {  	_ =	shalt  }
0x7c: {  	_ =	shalt  }
0x7d: {  	_ =	shalt  }
0x7e: {  	_ =	shalt  }
0x7f: {  	_ =	shalt  }
0x80: {  	_ =	shalt  }
0x81: {  	_ =	shalt  }
0x82: {  	_ =	shalt  }
0x83: {  	_ =	shalt  }
0x84: {  	_ =	shalt  }
0x85: {  	_ =	shalt  }
0x86: {  	_ =	shalt  }
0x87: {  	_ =	shalt  }
.Lfunc_end0:
.L_simem_size_0:
called_computation_lowered:
.L_overlay_start_0:
0x88: {  	s0 =	sld [smem:$0x3FD9]  }
0x89: {  	s1 =	sld [smem:$0x3FFE];
	_ =	sdelay $0x3  }
0x8a: {  	s0 =	sadd.s32 s1, s0  }
0x8b: {  	[smem:$0x3FC2] =	sst s0  }
0x8c: {  	_ = 	snop  }
0x8d: {  	s0 =	sld [smem:$0x3FC4]  }
0x8e: {  	s16 =	sld [smem:$0x3FD0];
	(tm) =	ssettm $0x1  }
0x8f: {  	s2 =	sld [smem:$0x3FFB];
	_ =	sdelay $0x3  }
0x90: {  	_ =	strace s2  }
0x91: {  	s2 =	sld [smem:$0x3FFC];
	_ =	sdelay $0x3  }
0x92: {  	_ =	strace s2  }
0x93: {  	s2 =	sld [smem:$0x3FFD];
	_ =	sdelay $0x3  }
0x94: {  	_ =	strace s2  }
0x95: {  	_ =	strace $0x8FFFFFFF  }
0x96: {  	s17 =	sld [smem:$0x3FDB];
	_ =	sdelay $0x1  }
0x97: {  	s3 =	simm.s32 $_scs_section_size  }
0x98: {  	s4 =	simm.s32 $_size__tile_overlayer_lowered;
	s5 =	simm.s32 $_tile_overlayer_lowered  }
0x99: {  	s20 =	simm.s32 $0x1BFF;
	s19 =	sshll.u32 s5, $0x1;
	s2 =	sadd.s32 s3, s17  }
0x9a: {  	s6 =	simm.s32 $0x0;
	s18 =	sshll.u32 s4, $0x1;
	s4 =	sadd.s32 s19, s2  }
0x9b: {  	[timem:s6], [sflag:s20] =	dma.local [hbm:s4], s18  }
0x9c: {  	_ =	swait.ge [sflag:s20], s18  }
0x9d: {  	s3 =	ssub.s32 $0x0, s18;
	[sflag:s20] =	ssyncset.done $0x0  }
0x9e: {  	[sflag:s20] =	ssyncadd.s32 s3;
	_ =	sdelay $0x1  }
0x9f: {  	s21 =	simm.s32 $0x1B8B  }
0xa0: {  	_ =	swait.ge [sflag:s21], $0x1  }
0xa1: {  	[sflag:s21] =	ssyncset.done $0x0  }
0xa2: {  	s23 =	simm.s32 $0x1B8E;
	s22 =	sld [smem:$0x3FFE];
	[sflag:s21] =	ssyncadd.s32 $0xFFFFFFFF  }
0xa3: {  	s24 =	simm.s32 $execute0_lowered;
	[smem:$0x3FD2] =	sst s23  }
0xa4: {  	s4 =	sshll.u32 s24, $0x1;
	_ =	strace $0x80000046;
	[dreg:$0x1] =	wrdreg $0xFFFFFFFF  }
0xa5: {  	s25 =	simm.s32 $_size_execute0_lowered;
	s2 =	sadd.s32 s2, s4;
	[dreg:$0x0] =	wrdreg $0x0  }
0xa6: {  	s4 =	sshll.u32 s25, $0x1;
	[dreg:$0x2] =	wrdreg s2  }
0xa7: {  	[dreg:$0x3] =	wrdreg s4  }
0xa8: {  	[dreg:$0x4] =	wrdreg $0xC0  }
0xa9: {  	_ =	task [dreg:s6], $0x5FFFF  }
0xaa: {  	[dreg:$0x1] =	wrdreg $0xFFFFFFFF  }
0xab: {  	[dreg:$0x0] =	wrdreg $0x60  }
0xac: {  	[dreg:$0x2] =	wrdreg s0  }
0xad: {  	[dreg:$0x3] =	wrdreg s22  }
0xae: {  	[dreg:$0x4] =	wrdreg s16  }
0xaf: {  	[dreg:$0x5] =	wrdreg $0x9  }
0xb0: {  	_ =	task.clear_ibuf [dreg:s6], $0x6FFFF;
	_ =	strace $0x90000046  }
0xb1: {  	s26 =	simm.s32 $0x9;
	_ =	strace $0x80000048  }
0xb2: {  	_ =	swait.ge [sflag:s26], $0x1  }
0xb3: {  	[sflag:s26] =	ssyncadd.s32 $0xFFFFFFFF  }
0xb4: {  	_ =	strace $0x90000048  }
0xb5: {  	_ =	sfence  }
0xb6: {  	s28 =	sld [smem:$0x0];
	_ =	sdelay $0x1  }
0xb7: {  	s29 =	srdreg.scid  }
0xb8: {  	s30 =	sshll.u32 s29, $0xD;
	s31 =	sshrl.u32 s29, $0x2  }
0xb9: {  	s1 =	sand.u32 $0x1, s29;
	s2 =	sand.u32 $0x4000, s30;
	s0 =	sadd.s32 s31, s28  }
0xba: {  	s1 =	sor.u32 s2, s1;
	s0 =	sshll.u32 s0, $0x11  }
0xbb: {  	s0 =	sor.u32 s0, s1  }
0xbc: {  	s0 =	sadd.s32 $0x8F2B, s0  }
0xbd: {  	[sflag:s0] =	ssyncadd.remote.s32 $0x1  }
0xbe: {  	_ =	sfence.sel $0xFFFF  }
0xbf: {  	[dreg:$0x0] =	wrdreg $0xFFFFFFFF;
	(pc) =	sbr.abs _section_cstart, $3  }
0xc0: {  	[dreg:$0x1] =	wrdreg $0xFFFFFFFF  }
0xc1: {  	_ =	task.clear_ibuf [dreg:s6], $0x2FFFF;
	_ =	strace $0x9FFFFFFF  }
0xc2: {  	(tm) =	ssettm $0x7FFFFFFF  }
0xc3: {  	_ =	shalt  }
tec
execute0_lowered:
.L_overlay_start_1:
0x0: {  	(tag) =	ssettag $0x1  }
0x1: {  	s0 =	rddreg [dreg:$0x0]  }
0x2: {  	s1 =	rddreg [dreg:$0x1]  }
0x3: {  	s2 =	rddreg [dreg:$0x2]  }
0x4: {  	s3 =	rddreg [dreg:$0x3];
	s4 =	simm.s32 $0x0  }
0x5: {  	[smem:$0x7FF] =	sst s4  }
0x6: {  	s5 =	stileid.u32;
	s6 =	simm.s32 $0x2;
	_ =	strace $0x80000047  }
0x7: {  	[tilespmem:s4], [sflag:$0x2] =	stream.linear.gather [hbm4b:s0+s4], $0x1000, $0x38;
	[tilespmem:$0x3000] =	vst v63  }
0x8: {  	s9 =	simm.s32 $0x1000;
	s24 =	smul.u32 $0x61A8, s5;
	_ =	swait.ge [sflag:s6], $0x1000  }
0x9: {  	s1 =	sadd.s32 $0x800, s1;
	s7 =	sshllo.u32 s5, $0x1;
	[sflag:s6] =	ssyncset.done $0x0  }
0xa: {  	s8 =	smul.u32 $0x30D4, s7;
	s0 =	sadd.s32 s1, s24;
	[sflag:s6] =	ssyncadd.s32 $0xFFFFF000  }
0xb: {  	[tilespmem:s9], [sflag:$0x1] =	stream.indirect.gather [hbm4b:s0+s9], $0x1, s4, s9, $0xb8;
	[tilespmem:$0x3000] =	vst v63  }
0xc: {  	s26 =	simm.s32 $0x2000;
	s28 =	simm.s32 $0x1;
	s25 =	sadd.s32 s1, s8  }
0xd: {  	[tilespmem:s26], [sflag:$0x1] =	stream.indirect.gather [hbm4b:s25+s9], $0x1, s4, s9, $0xb8;
	[tilespmem:$0x3000] =	vst v63  }
0xe: {  	_ =	swait.ge [sflag:s28], $0x1000  }
0xf: {  	[sflag:s28] =	ssyncset.done $0x0  }
0x10: {  	[sflag:s28] =	ssyncadd.s32 $0xFFFFF000  }
0x11: {  	_ =	swait.ge [sflag:s28], $0x1000  }
0x12: {  	s29 =	sshll.u32 s5, $0xA;
	[sflag:s28] =	ssyncset.done $0x0  }
0x13: {  	s30 =	sadd.s32 s2, s29;
	[sflag:s28] =	ssyncadd.s32 $0xFFFFF000  }
0x14: {  	[hbm4b:s30+s4] =	stream.linear.scatter [tilespmem:s9], [sflag:$0x2], $0x1000, $0x38;
	[tilespmem:$0x3000] =	vst v63  }
0x15: {  	_ =	swait.ge [sflag:s6], $0x1000  }
0x16: {  	s31 =	sshll.u32 s7, $0x9;
	[sflag:s6] =	ssyncset.done $0x0  }
0x17: {  	s0 =	sadd.s32 s2, s31;
	[sflag:s6] =	ssyncadd.s32 $0xFFFFF000  }
0x18: {  	[hbm4b:s0+s4] =	stream.linear.scatter [tilespmem:s26], [sflag:$0x2], $0x1000, $0x38;
	[tilespmem:$0x3000] =	vst v63  }
0x19: {  	_ =	swait.ge [sflag:s6], $0x1000  }
0x1a: {  	[sflag:s6] =	ssyncset.done $0x0  }
0x1b: {  	[sflag:s6] =	ssyncadd.s32 $0xFFFFF000  }
0x1c: {  	_ =	sfence.sel $0x180000  }
0x1d: {  	[bflag:$0x0] =	sbarrier.arrive $0xFFFF  }
0x1e: {  	p0 =	sne.s32 s5, $0x0;
	_ =	strace $0x90000047  }
0x1f: {  	s0 =	sadd.s32 @!p0 $0x100000, s3;
	[bflag:$0x2] =	sbarrier.arrive $0xFFFF  }
0x20: {  	[sflag:s0] =	ssyncadd.tile.s32 @!p0 $0x1;
	_ =	shalt  }
.Lfunc_end2:
_tile_overlayer_lowered:
.L_overlay_start_2:
0x21: {  	(tag) =	ssettag $0x2  }
0x22: {  	s0 =	rddreg [dreg:$0x0];
	s2 =	stileid.u32  }
0x23: {  	s1 =	rddreg [dreg:$0x1];
	p0 =	sne.s32 s2, $0x0  }
0x24: {  	s3 =	rddreg [dreg:$0x2];
	[bflag:$0x3] =	sbarrier.arrive $0xFFFF;
	s2 =	simm.s32 @!p0 $0x1C02  }
0x25: {  	[timem:s3], [sflag:s2] =	dma.local @!p0 [hbm:s0], s1  }
0x26: {  	s0 =	simm.s32 @!p0 $0x2  }
0x27: {  	_ =	swait.ge @!p0 [sflag:s0], s1  }
0x28: {  	s1 =	ssub.s32 @!p0 $0x0, s1;
	[sflag:s0] =	ssyncset.done @!p0 $0x0  }
0x29: {  	[sflag:s0] =	ssyncadd.s32 @!p0 s1  }
0x2a: {  	[bflag:$0x3] =	sbarrier.arrive $0xFFFF  }
0x2b: {  	_ =	shalt  }

</sc_bundles>
